<compile_context>
chip_gen: v7x
topology: tpu7x:2x2x1
jax: 0.10.2.dev20260603
libtpu: 0.0.44.dev20260713+nightly
codegen_flags: <defaults>
</compile_context>

<pallas_src>
import functools

import numpy as np
import jax
import jax.numpy as jnp
from jax import lax
from jax.experimental import pallas as pl
from jax.experimental.pallas import tpu as pltpu
from jax.experimental.pallas import tpu_sc as plsc

_C, _H, _W = 3, 2048, 2048
_NUM_CRACKS = 100
_MAX_LENGTH = 2
_MAX_WIDTH = 2


def _scratch_mask_np(cols, rows, seed=0):
    rng = np.random.default_rng(seed)
    n = int(rng.integers(1, _NUM_CRACKS))
    x_start = rng.integers(0, rows, size=n)
    x_end = rng.integers(0, rows, size=n)
    y_start = rng.integers(0, cols, size=n)
    y_end = rng.integers(0, cols, size=n)
    length = rng.integers(1, _MAX_LENGTH, size=n)
    width = rng.integers(1, _MAX_WIDTH, size=n)
    mask = np.zeros((cols, rows), dtype=bool)
    for i in range(n):
        xs, xe = int(x_start[i]), int(x_end[i])
        ys, ye = int(y_start[i]), int(y_end[i])
        l, w = int(length[i]), int(width[i])
        dx, dy = abs(xe - xs), abs(ye - ys)
        sx = 1 if xs < xe else -1
        sy = 1 if ys < ye else -1
        err = dx - dy
        while xs != xe or ys != ye:
            mask[ys:ys + w, xs:xs + l] = True
            e2 = 2 * err
            if e2 > -dy:
                err -= dy
                xs += sx
            if e2 < dx:
                err += dx
                ys += sy
    return mask


_NW = 32
_CHUNK = 128

_pix = np.flatnonzero(_scratch_mask_np(_H, _W))
_flat = (_pix[None, :] + (np.arange(_C) * _H * _W)[:, None]).reshape(-1)
_KCH = -(-_flat.size // (_NW * _CHUNK))
_pad = _NW * _CHUNK * _KCH - _flat.size
_flat = np.concatenate([_flat, _flat[:_pad]])
_IDX_NP = _flat.astype(np.int32).reshape(_NW, _KCH * _CHUNK)


_ROWS = _C * _H
_BLK = 512


def _copy_max_body(x_ref, o_ref, m_ref):
    o_ref[...] = x_ref[...]
    bm = jnp.max(x_ref[...])

    @pl.when(pl.program_id(0) == 0)
    def _():
        m_ref[0, 0] = bm

    @pl.when(pl.program_id(0) != 0)
    def _():
        m_ref[0, 0] = jnp.maximum(m_ref[0, 0], bm)


_copy_max = pl.pallas_call(
    _copy_max_body,
    grid=(_ROWS // _BLK,),
    in_specs=[pl.BlockSpec((_BLK, _W), lambda i: (i, 0))],
    out_specs=[
        pl.BlockSpec((_BLK, _W), lambda i: (i, 0)),
        pl.BlockSpec(memory_space=pltpu.SMEM),
    ],
    out_shape=[
        jax.ShapeDtypeStruct((_ROWS, _W), jnp.float32),
        jax.ShapeDtypeStruct((1, 1), jnp.float32),
    ],
)


@functools.cache
def _get_scatter_kernel():
    mesh = plsc.VectorSubcoreMesh(core_axis_name="c", subcore_axis_name="s")
    num_cores = mesh.num_cores

    @functools.partial(
        pl.kernel,
        out_type=(),
        mesh=mesh,
        scratch_types=[
            pltpu.VMEM((_KCH * _CHUNK,), jnp.int32),
            pltpu.VMEM((_KCH * _CHUNK,), jnp.float32),
            pltpu.VMEM((16,), jnp.float32),
            pltpu.SemaphoreType.DMA,
        ],
    )
    def _scatter_kernel(img_ref, idx_hbm, val_hbm, idx_v, vals_v, val_v, sem):
        wid = lax.axis_index("s") * num_cores + lax.axis_index("c")
        pltpu.sync_copy(idx_hbm.at[wid], idx_v)
        pltpu.sync_copy(val_hbm, val_v)
        v = val_v[...]

        @pl.loop(0, _KCH * _CHUNK // 16)
        def _(i):
            vals_v[pl.ds(16 * i, 16)] = v

        pltpu.async_copy(vals_v, img_ref.at[idx_v], sem).wait()

    return _scatter_kernel


def kernel(inp):
    img, val = _copy_max(inp.reshape(_ROWS, _W))
    val16 = jnp.broadcast_to(val.reshape(1), (16,))
    img_ref = jax.new_ref(img.reshape(-1))
    _get_scatter_kernel()(img_ref, jnp.asarray(_IDX_NP), val16)
    return img_ref[...].reshape(_C, _H, _W)

# --- scband reference (transcript-rebuilt; emitter-appended) ---
"""Pipeline reference for scband-scatches-75033078661777 (READ-ONLY COPY).

The authoritative reference and input builder live on the scoring server;
editing this copy changes nothing except your own understanding.
"""

import jax, jax.numpy as jnp
import numpy as np

NUM_CRACKS = 100
MAX_LENGTH = 2
MAX_WIDTH = 2


def _scratch_mask(cols, rows, num_cracks=NUM_CRACKS, max_length=MAX_LENGTH, max_width=MAX_WIDTH, seed=0):
    # The torch module draws Bresenham lines with data-independent randomness
    # (torch.randint on shapes only). We reproduce that with a fixed numpy RNG so
    # the reference is deterministic; probability=1.0 so the branch always fires.
    rng = np.random.default_rng(seed)
    n = int(rng.integers(1, num_cracks))
    x_start = rng.integers(0, rows, size=n)
    x_end = rng.integers(0, rows, size=n)
    y_start = rng.integers(0, cols, size=n)
    y_end = rng.integers(0, cols, size=n)
    length = rng.integers(1, max_length, size=n)
    width = rng.integers(1, max_width, size=n)
    mask = np.zeros((cols, rows), dtype=bool)
    for i in range(n):
        xs, xe = int(x_start[i]), int(x_end[i])
        ys, ye = int(y_start[i]), int(y_end[i])
        l, w = int(length[i]), int(width[i])
        dx, dy = abs(xe - xs), abs(ye - ys)
        sx = 1 if xs < xe else -1
        sy = 1 if ys < ye else -1
        err = dx - dy
        while xs != xe or ys != ye:
            mask[ys:ys + w, xs:xs + l] = True
            e2 = 2 * err
            if e2 > -dy:
                err -= dy
                xs += sx
            if e2 < dx:
                err += dx
                ys += sy
    return jnp.asarray(mask)


def setup_inputs(seed: int = 0) -> dict:
    key = jax.random.key(seed)
    inp = jax.random.normal(key, (3, 2048, 2048), dtype=jnp.float32)
    return {"inp": inp}


def reference(inp):
    cols, rows = inp.shape[-2], inp.shape[-1]
    mask = _scratch_mask(cols, rows)
    val = inp.max()
    # scatter-overwrite: every scratched pixel (across all channels) is set to the
    # global max of the input, matching inp[..., ys:ys+w, xs:xs+l] = inp.max()
    return jnp.where(mask[None, :, :], val, inp)

if __name__ == "__main__":
    import jax
    _d = setup_inputs()
    print(jax.jit(kernel)(*tuple(_d.values())))

</pallas_src>

<mosaic_0001>
#map = affine_map<(d0, d1) -> (0)>
#map1 = affine_map<(d0, d1) -> (0, 0)>
module attributes {stable_mosaic.version = 14 : i64} {
  func.func @new_body(%arg0: i32, %arg1: i32, %arg2: memref<12582912xf32, #tpu.memory_space<hbm>>, %arg3: memref<32x8320xi32, #tpu.memory_space<hbm>>, %arg4: memref<16xf32, #tpu.memory_space<hbm>>, %arg5: memref<12582912xf32, #tpu.memory_space<hbm>>, %arg6: memref<8320xi32, #tpu.memory_space<vmem>>, %arg7: memref<8320xf32, #tpu.memory_space<vmem>>, %arg8: memref<16xf32, #tpu.memory_space<vmem>>, %arg9: memref<!tpu.dma_semaphore, #tpu.memory_space<semaphore_mem>>) attributes {dimension_semantics = [#tpu.dimension_semantics<core_parallel>, #tpu.dimension_semantics<subcore_parallel>], iteration_bounds = array<i64: 2, 16>, scalar_prefetch = 0 : i64, scratch_operands = 4 : i64, tpu.core_type = #tpu.core_type<sc_vector_subcore>, window_params = [{transform_indices = #map}, {transform_indices = #map1}, {transform_indices = #map}, {transform_indices = #map}]} {
    %mul3A = arith.constant 2 : i32
    %mul3A_0 = arith.muli %arg1, %mul3A : i32
    %add3A = arith.addi %mul3A_0, %arg0 : i32
    "tpu.region"() ({
      %run_scoped3A = tpu.sem_alloc : memref<!tpu.dma_semaphore, #tpu.memory_space<semaphore_mem>>
      %dma_start3A_9 = arith.constant 0 : i32
      %dma_start3A_10 = tpu.memref_slice %arg3[%add3A, %dma_start3A_9] : memref<32x8320xi32, #tpu.memory_space<hbm>> -> memref<1x8320xi32, #tpu.memory_space<hbm>>
      %dma_start3A_11 = tpu.memref_squeeze %dma_start3A_10 : memref<1x8320xi32, #tpu.memory_space<hbm>> -> memref<8320xi32, #tpu.memory_space<hbm>>
      %dma_start3A_12 = arith.constant 0 : i32
      %dma_start3A_13 = tpu.memref_slice %arg3[%add3A, %dma_start3A_12] : memref<32x8320xi32, #tpu.memory_space<hbm>> -> memref<1x8320xi32, #tpu.memory_space<hbm>>
      %dma_start3A_14 = tpu.memref_squeeze %dma_start3A_13 : memref<1x8320xi32, #tpu.memory_space<hbm>> -> memref<8320xi32, #tpu.memory_space<hbm>>
      tpu.enqueue_dma source(%dma_start3A_14 : memref<8320xi32, #tpu.memory_space<hbm>>) target(%arg6 : memref<8320xi32, #tpu.memory_space<vmem>>) target_semaphore(%run_scoped3A : memref<!tpu.dma_semaphore, #tpu.memory_space<semaphore_mem>>)
      %dma_wait3A_15 = arith.constant 0 : i32
      %dma_wait3A_16 = tpu.memref_slice %arg3[%add3A, %dma_wait3A_15] : memref<32x8320xi32, #tpu.memory_space<hbm>> -> memref<1x8320xi32, #tpu.memory_space<hbm>>
      %dma_wait3A_17 = tpu.memref_squeeze %dma_wait3A_16 : memref<1x8320xi32, #tpu.memory_space<hbm>> -> memref<8320xi32, #tpu.memory_space<hbm>>
      %dma_wait3A_18 = arith.constant 0 : i32
      %dma_wait3A_19 = tpu.memref_slice %arg3[%add3A, %dma_wait3A_18] : memref<32x8320xi32, #tpu.memory_space<hbm>> -> memref<1x8320xi32, #tpu.memory_space<hbm>>
      %dma_wait3A_20 = tpu.memref_squeeze %dma_wait3A_19 : memref<1x8320xi32, #tpu.memory_space<hbm>> -> memref<8320xi32, #tpu.memory_space<hbm>>
      tpu.wait_dma2 semaphore(%run_scoped3A : memref<!tpu.dma_semaphore, #tpu.memory_space<semaphore_mem>>) src(%dma_wait3A_20 : memref<8320xi32, #tpu.memory_space<hbm>>) dst(%arg6 : memref<8320xi32, #tpu.memory_space<vmem>>)
      tpu.yield
    }) : () -> ()
    "tpu.region"() ({
      %run_scoped3A = tpu.sem_alloc : memref<!tpu.dma_semaphore, #tpu.memory_space<semaphore_mem>>
      tpu.enqueue_dma source(%arg4 : memref<16xf32, #tpu.memory_space<hbm>>) target(%arg8 : memref<16xf32, #tpu.memory_space<vmem>>) target_semaphore(%run_scoped3A : memref<!tpu.dma_semaphore, #tpu.memory_space<semaphore_mem>>)
      tpu.wait_dma2 semaphore(%run_scoped3A : memref<!tpu.dma_semaphore, #tpu.memory_space<semaphore_mem>>) src(%arg4 : memref<16xf32, #tpu.memory_space<hbm>>) dst(%arg8 : memref<16xf32, #tpu.memory_space<vmem>>)
      tpu.yield
    }) : () -> ()
    %get3A = arith.constant 0 : index
    %get3A_1 = tpu.vector_load %arg8[%get3A] {strides = array<i32>} : memref<16xf32, #tpu.memory_space<vmem>>, vector<16xf32>,
    %get3A_2 = vector.shape_cast %get3A_1 : vector<16xf32> to vector<16xf32>
    %scan3A = arith.constant 0 : i32
    %scan3A_3 = arith.constant 520 : i32
    %scan3A_4 = arith.addi %scan3A, %scan3A_3 : i32
    %scan3A_5 = arith.constant 1 : i32
    scf.for %scan3A_9 = %scan3A to %scan3A_4 step %scan3A_5  : i32 {
      %mul3A_10 = arith.constant 1 : i32
      %mul3A_11 = arith.muli %scan3A_9, %mul3A_10 : i32
      %add3A_12 = arith.constant 0 : i32
      %add3A_13 = arith.addi %add3A_12, %mul3A_11 : i32
      %mul3A_14 = arith.constant 16 : i32
      %mul3A_15 = arith.muli %mul3A_14, %add3A_13 : i32
      %swap3A = arith.index_cast %mul3A_15 : i32 to index
      %swap3A_16 = tpu.vector_load %arg7[%swap3A] {strides = array<i32>} : memref<8320xf32, #tpu.memory_space<vmem>>, vector<16xf32>,
      %swap3A_17 = vector.shape_cast %swap3A_16 : vector<16xf32> to vector<16xf32>
      %swap3A_18 = vector.shape_cast %get3A_2 : vector<16xf32> to vector<16xf32>
      tpu.vector_store %arg7[%swap3A], %swap3A_18 {strides = array<i32>} : memref<8320xf32, #tpu.memory_space<vmem>>, vector<16xf32>,
    }
    %scan3A_6 = arith.constant 520 : i32
    %dma_start3A = arith.constant 0 : i32
    %dma_start3A_7 = tpu.memref_slice %arg2[%dma_start3A] : memref<12582912xf32, #tpu.memory_space<hbm>> -> memref<12582912xf32, #tpu.memory_space<hbm>>
    tpu.enqueue_indirect_dma source(%arg7 : memref<8320xf32, #tpu.memory_space<vmem>>) target(%dma_start3A_7 : memref<12582912xf32, #tpu.memory_space<hbm>>) offsets(%arg6 : memref<8320xi32, #tpu.memory_space<vmem>>) semaphore(%arg9 : memref<!tpu.dma_semaphore, #tpu.memory_space<semaphore_mem>>)
    %dma_wait3A = arith.constant 0 : i32
    %dma_wait3A_8 = tpu.memref_slice %arg2[%dma_wait3A] : memref<12582912xf32, #tpu.memory_space<hbm>> -> memref<12582912xf32, #tpu.memory_space<hbm>>
    tpu.wait_indirect_dma semaphore(%arg9 : memref<!tpu.dma_semaphore, #tpu.memory_space<semaphore_mem>>) src(%arg7 : memref<8320xf32, #tpu.memory_space<vmem>>) dst(%dma_wait3A_8 : memref<12582912xf32, #tpu.memory_space<hbm>>)
    return
  }
}

module attributes {stable_mosaic.version = 14 : i64} {
  func.func @_copy_max_body(%arg0: i32, %arg1: memref<512x2048xf32, #tpu.memory_space<vmem>>, %arg2: memref<512x2048xf32, #tpu.memory_space<vmem>>, %arg3: memref<1x1xf32, #tpu.memory_space<smem>>) attributes {dimension_semantics = [#tpu.dimension_semantics<arbitrary>], iteration_bounds = array<i64: 12>, scalar_prefetch = 0 : i64, scratch_operands = 0 : i64, tpu.core_type = #tpu.core_type<tc>, window_params = [{transform_indices = @transform_0, window_bounds = array<i64: 512, 2048>}, {transform_indices = @transform_1, window_bounds = array<i64: 512, 2048>}, {transform_indices = @transform_2, window_bounds = array<i64: 1, 1>}]} {
    %get3A = arith.constant 0 : index
    %get3A_0 = arith.constant 0 : index
    %get3A_1 = vector.load %arg1[%get3A, %get3A_0] : memref<512x2048xf32, #tpu.memory_space<vmem>>, vector<512x2048xf32>
    %swap3A = arith.constant 0 : index
    %swap3A_2 = arith.constant 0 : index
    %swap3A_3 = vector.load %arg2[%swap3A, %swap3A_2] : memref<512x2048xf32, #tpu.memory_space<vmem>>, vector<512x2048xf32>
    tpu.vector_store %arg2[%swap3A, %swap3A_2], %get3A_1 {strides = array<i32>} : memref<512x2048xf32, #tpu.memory_space<vmem>>, vector<512x2048xf32>,
    %get3A_4 = arith.constant 0 : index
    %get3A_5 = arith.constant 0 : index
    %get3A_6 = vector.load %arg1[%get3A_4, %get3A_5] : memref<512x2048xf32, #tpu.memory_space<vmem>>, vector<512x2048xf32>
    %reduce_max3A = vector.shape_cast %get3A_6 : vector<512x2048xf32> to vector<1x512x2048xf32>
    %reduce_max3A_7 = arith.constant dense<0xFF800000> : vector<1xf32>
    %reduce_max3A_8 = vector.multi_reduction <maximumf>, %reduce_max3A, %reduce_max3A_7 [1, 2] : vector<1x512x2048xf32> to vector<1xf32>
    %reduce_max3A_9 = vector.shape_cast %reduce_max3A_8 : vector<1xf32> to vector<1x1x1xf32>
    %reduce_max3A_10 = vector.extract %reduce_max3A_9[0, 0, 0] : f32 from vector<1x1x1xf32>
    %eq3A = arith.constant 0 : i32
    %eq3A_11 = arith.cmpi eq, %arg0, %eq3A : i32
    %convert_element_type3A = arith.extui %eq3A_11 : i1 to i32
    %cond3A = arith.constant 0 : i32
    %cond3A_12 = arith.cmpi ne, %convert_element_type3A, %cond3A : i32
    scf.if %cond3A_12 {
      %swap3A_17 = arith.constant 0 : index
      %swap3A_18 = arith.constant 0 : index
      %swap3A_19 = memref.load %arg3[%swap3A_17, %swap3A_18] : memref<1x1xf32, #tpu.memory_space<smem>>
      memref.store %reduce_max3A_10, %arg3[%swap3A_17, %swap3A_18] : memref<1x1xf32, #tpu.memory_space<smem>>
    } else {
    }
    %ne3A = arith.constant 0 : i32
    %ne3A_13 = arith.cmpi ne, %arg0, %ne3A : i32
    %convert_element_type3A_14 = arith.extui %ne3A_13 : i1 to i32
    %cond3A_15 = arith.constant 0 : i32
    %cond3A_16 = arith.cmpi ne, %convert_element_type3A_14, %cond3A_15 : i32
    scf.if %cond3A_16 {
      %get3A_17 = arith.constant 0 : index
      %get3A_18 = arith.constant 0 : index
      %get3A_19 = memref.load %arg3[%get3A_17, %get3A_18] : memref<1x1xf32, #tpu.memory_space<smem>>
      %max3A = arith.maximumf %get3A_19, %reduce_max3A_10 : f32
      %swap3A_20 = arith.constant 0 : index
      %swap3A_21 = arith.constant 0 : index
      %swap3A_22 = memref.load %arg3[%swap3A_20, %swap3A_21] : memref<1x1xf32, #tpu.memory_space<smem>>
      memref.store %max3A, %arg3[%swap3A_20, %swap3A_21] : memref<1x1xf32, #tpu.memory_space<smem>>
    } else {
    }
    return
  }
  func.func @transform_0(%arg0: i32) -> (i32, i32) {
    %c0_i32 = arith.constant 0 : i32
    %c0_i32_0 = arith.constant 0 : i32
    return %arg0, %c0_i32 : i32, i32
  }
  func.func @transform_1(%arg0: i32) -> (i32, i32) {
    %c0_i32 = arith.constant 0 : i32
    %c0_i32_0 = arith.constant 0 : i32
    return %arg0, %c0_i32 : i32, i32
  }
  func.func @transform_2(%arg0: i32) -> (i32, i32) {
    %c0_i32 = arith.constant 0 : i32
    %c0_i32_0 = arith.constant 0 : i32
    %c0_i32_1 = arith.constant 0 : i32
    return %c0_i32, %c0_i32_0 : i32, i32
  }
}

</mosaic_0001>

<sc_bundles>
// kernel: kernel.4.cloned.1.call-start
scs
__scs_entry_jumppad:
0x0: {  	(pc) =	sbr.rel $0x88, $3  }
0x1: {  	(tag) =	ssettag $0x0;
	lr =	simm.s32 $0x1  }
0x2: {  	[smem:$0x3FA0] =	sst lr;
	_ =	strace $0xD0000000  }
0x3: {  	_ = 	snop  }
0x4: {  	_ = 	snop  }
0x5: {  	_ = 	snop  }
0x6: {  	_ = 	snop  }
0x7: {  	_ = 	snop  }
__scs_overlays_trampoline_lowered:
0x8: {  	[smem:$0x3FAF] =	sst s0  }
0x9: {  	[smem:$0x3FB0] =	sst s1  }
0xa: {  	[smem:$0x3FB1] =	sst s2  }
0xb: {  	[smem:$0x3FB2] =	sst s3  }
0xc: {  	[smem:$0x3FB3] =	sst s4  }
0xd: {  	[smem:$0x3FB4] =	sst s5  }
0xe: {  	[smem:$0x3FB5] =	sst s6  }
0xf: {  	[smem:$0x3FB6] =	sst s7  }
0x10: {  	[smem:$0x3FB7] =	sst s8  }
0x11: {  	[smem:$0x3FB8] =	sst s9;
	s0 =	simm.s32 @!p0 $0x0  }
0x12: {  	s1 =	sld [smem:$0x3F9E];
	s0 =	simm.s32 @p0 $0x1  }
0x13: {  	[smem:$0x3FB9] =	sst s0;
	s0 =	simm.s32 @!p1 $0x0  }
0x14: {  	s2 =	sld [smem:$0x3F9D];
	s0 =	simm.s32 @p1 $0x1  }
0x15: {  	[smem:$0x3FBA] =	sst s0;
	s0 =	simm.s32 @!p2 $0x0  }
0x16: {  	s3 =	sld [smem:$0x3FDB];
	s0 =	simm.s32 @p2 $0x1  }
0x17: {  	s4 =	simm.s32 $0x1BF5;
	[smem:$0x3FBC] =	sst s0  }
0x18: {  	s0 =	sld [smem:$0x3F9F];
	_ =	swait.ge [sflag:s4], $0x0  }
0x19: {  	s7 =	sld [smem:$0x3FA0]  }
0x1a: {  	s8 =	sadd.s32 $0xFFFFE003, lr  }
0x1b: {  	s9 =	sadd.s32 $0xFFFFFEF7, lr;
	s5 =	simm.s32 $0xFFFFFFFF;
	p2 =	slt.u32 s8, $0xFFFFF086  }
0x1c: {  	p1 =	slt.u32 s9, $0xF7A;
	s5 =	simm.s32 @!p2 $0x0  }
0x1d: {  	s5 =	simm.s32 @p1 $0x1;
	p0 =	seq.s32 s7, s2  }
0x1e: {  	s7 =	smul.u32 @!p0 $0xF7A, s2;
	p2 =	seq.s32 @!p0 s5, $0x0  }
0x1f: {  	s9 =	smul.u32 $0xF7A, s1;
	s8 =	simm.s32 @!p0 $0x1BF5;
	p2 =	por !p2, p0  }
0x20: {  	[sflag:s8] =	ssyncset.s32 @!p0 $0xFFFFF086;
	s6 =	sadd.s32 @!p0 s3, s7;
	s7 =	simm.s32 @!p0 $0x108  }
0x21: {  	s3 =	sadd.s32 s3, s9;
	s6 =	sadd.s32 @!p0 $0x88, s6;
	s7 =	simm.s32 @p2 $0x1082  }
0x22: {  	[simem:s7], [sflag:s8] =	dma.local @!p0 [hbm:s6], $0xF7A  }
0x23: {  	s9 =	sor.u32 $0xD0000000, s2;
	s6 =	simm.s32 $0x108;
	_ =	swait.ge @!p0 [sflag:s8], $0x0  }
0x24: {  	s3 =	sadd.s32 $0x88, s3;
	s6 =	simm.s32 @!p1 $0x1082;
	[sflag:s4] =	ssyncset.s32 $0xFFFFF086  }
0x25: {  	[simem:s6], [sflag:s4] =	dma.local [hbm:s3], $0xF7A  }
0x26: {  	[smem:$0x3FA0] =	sst s1;
	(tag) =	ssettag s2;
	_ =	strace s9  }
0x27: {  	s1 =	sld [smem:$0x3FB0]  }
0x28: {  	s2 =	sld [smem:$0x3FB1]  }
0x29: {  	s4 =	sld [smem:$0x3FB3]  }
0x2a: {  	p0 =	seq.s32 s5, $0x0;
	s5 =	sld [smem:$0x3FB4]  }
0x2b: {  	s6 =	sld [smem:$0x3FB5]  }
0x2c: {  	s7 =	sld [smem:$0x3FB6]  }
0x2d: {  	s3 =	simm.s32 $0x108;
	s8 =	sld [smem:$0x3FB7]  }
0x2e: {  	s3 =	simm.s32 @!p0 $0x1082;
	s9 =	sld [smem:$0x3FB8]  }
0x2f: {  	lr =	sadd.s32 s0, s3;
	s0 =	sld [smem:$0x3FAF]  }
0x30: {  	s3 =	sld [smem:$0x3FB2]  }
0x31: {  	[smem:$0x3FBB] =	sst s10  }
0x32: {  	s10 =	sld [smem:$0x3FB9];
	_ =	sdelay $0x3  }
0x33: {  	p0 =	seq.s32 s10, $0x1;
	s10 =	sld [smem:$0x3FBB];
	_ =	sdelay $0x3  }
0x34: {  	[smem:$0x3FBB] =	sst s10  }
0x35: {  	s10 =	sld [smem:$0x3FBA];
	_ =	sdelay $0x3  }
0x36: {  	p1 =	seq.s32 s10, $0x1;
	s10 =	sld [smem:$0x3FBB];
	_ =	sdelay $0x3  }
0x37: {  	[smem:$0x3FBB] =	sst s10  }
0x38: {  	s10 =	sld [smem:$0x3FBC]  }
0x39: {  	_ = 	snop;
	(pc) =	sbr.ind lr, $3  }
0x3a: {  	_ = 	snop  }
0x3b: {  	_ = 	snop  }
0x3c: {  	p2 =	seq.s32 s10, $0x1;
	s10 =	sld [smem:$0x3FBB]  }
0x3d: {  	_ =	shalt  }
0x3e: {  	_ =	shalt  }
0x3f: {  	_ =	shalt  }
0x40: {  	_ =	shalt  }
0x41: {  	_ =	shalt  }
0x42: {  	_ =	shalt  }
0x43: {  	_ =	shalt  }
0x44: {  	_ =	shalt  }
0x45: {  	_ =	shalt  }
0x46: {  	_ =	shalt  }
0x47: {  	_ =	shalt  }
0x48: {  	_ =	shalt  }
0x49: {  	_ =	shalt  }
0x4a: {  	_ =	shalt  }
0x4b: {  	_ =	shalt  }
0x4c: {  	_ =	shalt  }
0x4d: {  	_ =	shalt  }
0x4e: {  	_ =	shalt  }
0x4f: {  	_ =	shalt  }
0x50: {  	_ =	shalt  }
0x51: {  	_ =	shalt  }
0x52: {  	_ =	shalt  }
0x53: {  	_ =	shalt  }
0x54: {  	_ =	shalt  }
0x55: {  	_ =	shalt  }
0x56: {  	_ =	shalt  }
0x57: {  	_ =	shalt  }
0x58: {  	_ =	shalt  }
0x59: {  	_ =	shalt  }
0x5a: {  	_ =	shalt  }
0x5b: {  	_ =	shalt  }
0x5c: {  	_ =	shalt  }
0x5d: {  	_ =	shalt  }
0x5e: {  	_ =	shalt  }
0x5f: {  	_ =	shalt  }
0x60: {  	_ =	shalt  }
0x61: {  	_ =	shalt  }
0x62: {  	_ =	shalt  }
0x63: {  	_ =	shalt  }
0x64: {  	_ =	shalt  }
0x65: {  	_ =	shalt  }
0x66: {  	_ =	shalt  }
0x67: {  	_ =	shalt  }
0x68: {  	_ =	shalt  }
0x69: {  	_ =	shalt  }
0x6a: {  	_ =	shalt  }
0x6b: {  	_ =	shalt  }
0x6c: {  	_ =	shalt  }
0x6d: {  	_ =	shalt  }
0x6e: {  	_ =	shalt  }
0x6f: {  	_ =	shalt  }
0x70: {  	_ =	shalt  }
0x71: {  	_ =	shalt  }
0x72: {  	_ =	shalt  }
0x73: {  	_ =	shalt  }
0x74: {  	_ =	shalt  }
0x75: {  	_ =	shalt  }
0x76: {  	_ =	shalt  }
0x77: {  	_ =	shalt  }
0x78: {  	_ =	shalt  }
0x79: {  	_ =	shalt  }
0x7a: {  	_ =	shalt  }
0x7b: {  	_ =	shalt  }
0x7c: {  	_ =	shalt  }
0x7d: {  	_ =	shalt  }
0x7e: {  	_ =	shalt  }
0x7f: {  	_ =	shalt  }
0x80: {  	_ =	shalt  }
0x81: {  	_ =	shalt  }
0x82: {  	_ =	shalt  }
0x83: {  	_ =	shalt  }
0x84: {  	_ =	shalt  }
0x85: {  	_ =	shalt  }
0x86: {  	_ =	shalt  }
0x87: {  	_ =	shalt  }
.Lfunc_end0:
.L_simem_size_0:
called_computation.1_lowered:
.L_overlay_start_0:
0x88: {  	s2 =	sld [smem:$0x3FD9]  }
0x89: {  	s3 =	sld [smem:$0x3FFE];
	_ =	sdelay $0x1  }
0x8a: {  	s1 =	srdreg.scid  }
0x8b: {  	s0 =	sand.u32 $0x1, s1  }
0x8c: {  	s17 =	sshll.u32 s0, $0xA;
	s2 =	sadd.s32 s3, s2  }
0x8d: {  	s2 =	sadd.s32 s2, s17  }
0x8e: {  	[smem:$0x3FC7] =	sst s2  }
0x8f: {  	_ = 	snop  }
0x90: {  	s2 =	sld [smem:$0x3FD0];
	(tm) =	ssettm $0x1  }
0x91: {  	s18 =	sld [smem:$0x3FFB];
	_ =	sdelay $0x3  }
0x92: {  	_ =	strace s18  }
0x93: {  	s3 =	sld [smem:$0x3FFC];
	_ =	sdelay $0x3  }
0x94: {  	_ =	strace s3  }
0x95: {  	s3 =	sld [smem:$0x3FFD];
	_ =	sdelay $0x3  }
0x96: {  	_ =	strace s3  }
0x97: {  	_ =	strace $0x8FFFFFFF  }
0x98: {  	s19 =	sld [smem:$0x3FDB];
	_ =	sdelay $0x1  }
0x99: {  	s4 =	simm.s32 $_scs_section_size  }
0x9a: {  	s5 =	simm.s32 $_size__tile_overlayer_lowered;
	s6 =	simm.s32 $_tile_overlayer_lowered  }
0x9b: {  	s22 =	simm.s32 $0x1BFF;
	s21 =	sshll.u32 s6, $0x1;
	s3 =	sadd.s32 s4, s19  }
0x9c: {  	s7 =	simm.s32 $0x0;
	s20 =	sshll.u32 s5, $0x1;
	s5 =	sadd.s32 s21, s3  }
0x9d: {  	[timem:s7], [sflag:s22] =	dma.local [hbm:s5], s20  }
0x9e: {  	_ =	swait.ge [sflag:s22], s20  }
0x9f: {  	s4 =	ssub.s32 $0x0, s20;
	[sflag:s22] =	ssyncset.done $0x0  }
0xa0: {  	[sflag:s22] =	ssyncadd.s32 s4;
	_ =	sdelay $0x1  }
0xa1: {  	s23 =	simm.s32 $0x1B8B  }
0xa2: {  	_ =	swait.ge [sflag:s23], $0x1  }
0xa3: {  	[sflag:s23] =	ssyncset.done $0x0  }
0xa4: {  	s25 =	simm.s32 $0x1B8E;
	s24 =	sld [smem:$0x3FFE];
	[sflag:s23] =	ssyncadd.s32 $0xFFFFFFFF  }
0xa5: {  	s26 =	simm.s32 $execute0_lowered;
	[smem:$0x3FD2] =	sst s25  }
0xa6: {  	s5 =	sshll.u32 s26, $0x1;
	_ =	strace $0x80000049;
	[dreg:$0x1] =	wrdreg $0xFFFFFFFF  }
0xa7: {  	s28 =	simm.s32 $_size_execute0_lowered;
	s3 =	sadd.s32 s3, s5;
	[dreg:$0x0] =	wrdreg $0x0  }
0xa8: {  	s5 =	sshll.u32 s28, $0x1;
	[dreg:$0x2] =	wrdreg s3  }
0xa9: {  	[dreg:$0x3] =	wrdreg s5  }
0xaa: {  	[dreg:$0x4] =	wrdreg $0xC0  }
0xab: {  	_ =	task [dreg:s7], $0x5FFFF  }
0xac: {  	[dreg:$0x1] =	wrdreg $0xFFFFFFFF  }
0xad: {  	[dreg:$0x0] =	wrdreg $0x60  }
0xae: {  	[dreg:$0x2] =	wrdreg s24  }
0xaf: {  	[dreg:$0x3] =	wrdreg s2  }
0xb0: {  	[dreg:$0x4] =	wrdreg $0x9  }
0xb1: {  	_ =	task.clear_ibuf [dreg:s7], $0x5FFFF;
	_ =	strace $0x90000049  }
0xb2: {  	s29 =	simm.s32 $0x9;
	_ =	strace $0x8000004B  }
0xb3: {  	_ =	swait.ge [sflag:s29], $0x1  }
0xb4: {  	[sflag:s29] =	ssyncadd.s32 $0xFFFFFFFF  }
0xb5: {  	_ =	strace $0x9000004B  }
0xb6: {  	_ =	sfence  }
0xb7: {  	s30 =	sld [smem:$0x0];
	_ =	sdelay $0x2  }
0xb8: {  	s31 =	sshll.u32 s1, $0xD;
	s1 =	sshrl.u32 s1, $0x2  }
0xb9: {  	s3 =	sand.u32 $0x4000, s31;
	s1 =	sadd.s32 s1, s30  }
0xba: {  	s0 =	sor.u32 s3, s0;
	s1 =	sshll.u32 s1, $0x11  }
0xbb: {  	s0 =	sor.u32 s1, s0  }
0xbc: {  	s0 =	sadd.s32 $0x8F2B, s0  }
0xbd: {  	[sflag:s0] =	ssyncadd.remote.s32 $0x1  }
0xbe: {  	_ =	sfence.sel $0xFFFF  }
0xbf: {  	[dreg:$0x0] =	wrdreg $0xFFFFFFFF;
	(pc) =	sbr.abs _section_cstart, $3  }
0xc0: {  	[dreg:$0x1] =	wrdreg $0xFFFFFFFF  }
0xc1: {  	_ =	task.clear_ibuf [dreg:s7], $0x2FFFF;
	_ =	strace $0x9FFFFFFF  }
0xc2: {  	(tm) =	ssettm $0x7FFFFFFF  }
0xc3: {  	_ =	shalt  }
tec
execute0_lowered:
.L_overlay_start_1:
0x0: {  	(tag) =	ssettag $0x1  }
0x1: {  	s4 =	rddreg [dreg:$0x0]  }
0x2: {  	s5 =	rddreg [dreg:$0x1]  }
0x3: {  	s0 =	rddreg [dreg:$0x2];
	s2 =	simm.s32 $0x0  }
0x4: {  	s3 =	srdreg.scid;
	s1 =	stileid.u32;
	s10 =	simm.s32 $0x4100  }
0x5: {  	s11 =	simm.s32 $0x2080;
	s12 =	simm.s32 $0x1;
	s13 =	simm.s32 $0x0  }
0x6: {  	[smem:$0x7FF] =	sst s2;
	s3 =	sand.u32 $0x1, s3;
	s6 =	sshrl.u32 s1, $0x2  }
0x7: {  	s7 =	sshll.u32 s1, $0x8;
	s6 =	smul.u32 $0x10400, s6;
	s8 =	sshll.u32 s3, $0x7  }
0x8: {  	s7 =	sand.u32 $0x300, s7;
	_ =	strace $0x8000004A;
	s9 =	ssub.s32 $0x2, s3  }
0x9: {  	s3 =	sadd.s32 $0xE00, s4;
	s4 =	sadd.s32 $0x180E00, s4;
	s7 =	sor.u32 s8, s7  }
0xa: {  	s30 =	sshrl.u32 s9, $0x1;
	s8 =	simm.s32 $0x400;
	s6 =	sor.u32 s6, s7  }
0xb: {  	s31 =	ssub.s32 s9, s30;
	s7 =	simm.s32 $0x80;
	s6 =	sshrl.u32 s6, $0x3  }
0xc: {  	s9 =	simm.s32 $0x2;
	s5 =	sadd.s32 s5, s6;
	s6 =	smax.u32 s31, $0x1  }
.LBB2_1:
0xd: {  	[tilespmem:s2], [sflag:$0x2] =	stream.strided.gather [hbm4b:s5+s7], $0x2080, s8, s7, $0x38;
	[tilespmem:$0x4180] =	vst v63  }
0xe: {  	_ =	swait.ge [sflag:s9], $0x2080  }
0xf: {  	[sflag:s9] =	ssyncset.done $0x0  }
0x10: {  	[sflag:s9] =	ssyncadd.s32 $0xFFFFDF80  }
0x11: {  	[tilespmem:s10], [sflag:$0x2] =	stream.linear.gather [hbm4b:s4+s2], $0x80, $0x38;
	[tilespmem:$0x4180] =	vst v63  }
0x12: {  	_ =	swait.ge [sflag:s9], $0x80  }
0x13: {  	[sflag:s9] =	ssyncset.done $0x0  }
0x14: {  	[sflag:s9] =	ssyncadd.s32 $0xFFFFFF80  }
0x15: {  	v0 =	vld [tilespmem:$0x4100];
	_ =	sdelay $0x3  }
0x16: {  	s14 =	simm.s32 $0x40;
	s15 =	simm.s32 $0x0  }
.LBB2_2:
0x17: {  	p0 =	sne.s32 s14, $0x81C0;
	[tilespmem:s15+$0x2080] =	vst v0;
	s15 =	smov.u32 s14;
	s14 =	sadd.s32 $0x40, s14  }
.Ltmp0:
0x18: {  	(pc) =	sbr.rel @p0 .LBB2_2-.Ltmp0, $2  }
0x19: {  	_ =	sdelay $0x2  }
0x1a: {  	s15 =	sshra.s32 s15, $0x2  }
0x1b: {  	s13 =	sadd.s32 $0x1, s13  }
0x1c: {  	p0 =	sne.s32 s13, s6  }
.Ltmp1:
0x1d: {  	[tilespmem:s15+$0x2080] =	vst v0;
	(pc) =	sbr.rel @p0 .LBB2_1-.Ltmp1, $4  }
0x1e: {  	[hbm4b:s3+s11] =	stream.indirect.scatter [tilespmem:s11], [sflag:$0x1], $0x1, s2, s11, $0xb8;
	[tilespmem:$0x4180] =	vst v63  }
0x1f: {  	_ =	swait.ge [sflag:s12], $0x2080  }
0x20: {  	[sflag:s12] =	ssyncset.done $0x0  }
0x21: {  	[sflag:s12] =	ssyncadd.s32 $0xFFFFDF80  }
0x22: {  	_ =	sfence.sel $0x180000  }
0x23: {  	[bflag:$0x0] =	sbarrier.arrive $0xFFFF  }
0x24: {  	p0 =	sne.s32 s1, $0x0;
	_ =	strace $0x9000004A  }
0x25: {  	s0 =	sadd.s32 @!p0 $0x100000, s0;
	[bflag:$0x2] =	sbarrier.arrive $0xFFFF  }
0x26: {  	[sflag:s0] =	ssyncadd.tile.s32 @!p0 $0x1;
	_ =	shalt  }
.Lfunc_end2:
_tile_overlayer_lowered:
.L_overlay_start_2:
0x27: {  	(tag) =	ssettag $0x2  }
0x28: {  	s0 =	rddreg [dreg:$0x0];
	s2 =	stileid.u32  }
0x29: {  	s1 =	rddreg [dreg:$0x1];
	p0 =	sne.s32 s2, $0x0  }
0x2a: {  	s3 =	rddreg [dreg:$0x2];
	[bflag:$0x3] =	sbarrier.arrive $0xFFFF;
	s2 =	simm.s32 @!p0 $0x1C02  }
0x2b: {  	[timem:s3], [sflag:s2] =	dma.local @!p0 [hbm:s0], s1  }
0x2c: {  	s0 =	simm.s32 @!p0 $0x2  }
0x2d: {  	_ =	swait.ge @!p0 [sflag:s0], s1  }
0x2e: {  	s1 =	ssub.s32 @!p0 $0x0, s1;
	[sflag:s0] =	ssyncset.done @!p0 $0x0  }
0x2f: {  	[sflag:s0] =	ssyncadd.s32 @!p0 s1  }
0x30: {  	[bflag:$0x3] =	sbarrier.arrive $0xFFFF  }
0x31: {  	_ =	shalt  }

// kernel: sparse-core-data-format-call.cloned.1.call-start
scs
called_computation_lowered:
.L_overlay_start_0:
0x0: {  	s2 =	sld [smem:$0x3FD9]  }
0x1: {  	s3 =	sld [smem:$0x3FFE];
	_ =	sdelay $0x1  }
0x2: {  	s1 =	srdreg.scid  }
0x3: {  	s0 =	sand.u32 $0x1, s1  }
0x4: {  	s18 =	sshll.u32 s0, $0xA;
	s2 =	sadd.s32 s3, s2  }
0x5: {  	s2 =	sadd.s32 s2, s18  }
0x6: {  	[smem:$0x3FC7] =	sst s2  }
0x7: {  	_ = 	snop  }
0x8: {  	s2 =	sld [smem:$0x3FD0];
	(tm) =	ssettm $0x1  }
0x9: {  	s19 =	sld [smem:$0x3FFB];
	_ =	sdelay $0x3  }
0xa: {  	_ =	strace s19  }
0xb: {  	s3 =	sld [smem:$0x3FFC];
	_ =	sdelay $0x3  }
0xc: {  	_ =	strace s3  }
0xd: {  	s3 =	sld [smem:$0x3FFD];
	_ =	sdelay $0x3  }
0xe: {  	_ =	strace s3  }
0xf: {  	_ =	strace $0x8FFFFFFF  }
0x10: {  	s20 =	sld [smem:$0x3FDB];
	_ =	sdelay $0x1  }
0x11: {  	s4 =	simm.s32 $_scs_section_size  }
0x12: {  	s5 =	simm.s32 $_size__tile_overlayer_lowered;
	s6 =	simm.s32 $_tile_overlayer_lowered  }
0x13: {  	s23 =	simm.s32 $0x1BFF;
	s22 =	sshll.u32 s6, $0x1;
	s3 =	sadd.s32 s4, s20  }
0x14: {  	s7 =	simm.s32 $0x0;
	s21 =	sshll.u32 s5, $0x1;
	s5 =	sadd.s32 s22, s3  }
0x15: {  	[timem:s7], [sflag:s23] =	dma.local [hbm:s5], s21  }
0x16: {  	_ =	swait.ge [sflag:s23], s21  }
0x17: {  	s4 =	ssub.s32 $0x0, s21;
	[sflag:s23] =	ssyncset.done $0x0  }
0x18: {  	[sflag:s23] =	ssyncadd.s32 s4;
	_ =	sdelay $0x1  }
0x19: {  	s24 =	simm.s32 $0x1B8B  }
0x1a: {  	_ =	swait.ge [sflag:s24], $0x1  }
0x1b: {  	[sflag:s24] =	ssyncset.done $0x0  }
0x1c: {  	s26 =	simm.s32 $0x1B8E;
	s25 =	sld [smem:$0x3FFE];
	[sflag:s24] =	ssyncadd.s32 $0xFFFFFFFF  }
0x1d: {  	s27 =	simm.s32 $execute0_lowered;
	[smem:$0x3FD2] =	sst s26  }
0x1e: {  	s5 =	sshll.u32 s27, $0x1;
	_ =	strace $0x80000046;
	[dreg:$0x1] =	wrdreg $0xFFFFFFFF  }
0x1f: {  	s28 =	simm.s32 $_size_execute0_lowered;
	s3 =	sadd.s32 s3, s5;
	[dreg:$0x0] =	wrdreg $0x0  }
0x20: {  	s5 =	sshll.u32 s28, $0x1;
	[dreg:$0x2] =	wrdreg s3  }
0x21: {  	[dreg:$0x3] =	wrdreg s5  }
0x22: {  	[dreg:$0x4] =	wrdreg $0xC0  }
0x23: {  	_ =	task [dreg:s7], $0x5FFFF  }
0x24: {  	[dreg:$0x1] =	wrdreg $0xFFFFFFFF  }
0x25: {  	[dreg:$0x0] =	wrdreg $0x60  }
0x26: {  	[dreg:$0x2] =	wrdreg s2  }
0x27: {  	[dreg:$0x3] =	wrdreg s25  }
0x28: {  	[dreg:$0x4] =	wrdreg $0x9  }
0x29: {  	_ =	task.clear_ibuf [dreg:s7], $0x5FFFF;
	_ =	strace $0x90000046  }
0x2a: {  	s29 =	simm.s32 $0x9;
	_ =	strace $0x80000048  }
0x2b: {  	_ =	swait.ge [sflag:s29], $0x1  }
0x2c: {  	[sflag:s29] =	ssyncadd.s32 $0xFFFFFFFF  }
0x2d: {  	_ =	strace $0x90000048  }
0x2e: {  	_ =	sfence  }
0x2f: {  	s30 =	sld [smem:$0x0];
	_ =	sdelay $0x2  }
0x30: {  	s31 =	sshll.u32 s1, $0xD;
	s1 =	sshrl.u32 s1, $0x2  }
0x31: {  	s3 =	sand.u32 $0x4000, s31;
	s1 =	sadd.s32 s1, s30  }
0x32: {  	s0 =	sor.u32 s3, s0;
	s1 =	sshll.u32 s1, $0x11  }
0x33: {  	s0 =	sor.u32 s1, s0  }
0x34: {  	s0 =	sadd.s32 $0x8F2B, s0  }
0x35: {  	[sflag:s0] =	ssyncadd.remote.s32 $0x1  }
0x36: {  	_ =	sfence.sel $0xFFFF  }
0x37: {  	[dreg:$0x0] =	wrdreg $0xFFFFFFFF;
	(pc) =	sbr.abs _section_cstart, $3  }
0x38: {  	[dreg:$0x1] =	wrdreg $0xFFFFFFFF  }
0x39: {  	_ =	task.clear_ibuf [dreg:s7], $0x2FFFF;
	_ =	strace $0x9FFFFFFF  }
0x3a: {  	(tm) =	ssettm $0x7FFFFFFF  }
0x3b: {  	_ =	shalt  }
tec
execute0_lowered:
.L_overlay_start_1:
0x0: {  	(tag) =	ssettag $0x1  }
0x1: {  	s2 =	rddreg [dreg:$0x0]  }
0x2: {  	s1 =	rddreg [dreg:$0x1]  }
0x3: {  	s0 =	rddreg [dreg:$0x2];
	_ =	strace $0x80000047;
	s4 =	srdreg.scid  }
.Ltmp0:
0x4: {  	s6 =	simm.s32 $0x2;
	p0 =	por $0x0, $0x0;
	(pc) =	sbr.rel .LBB1_1-.Ltmp0, $4  }
0x5: {  	s9 =	simm.s32 $0x0;
	s3 =	sadd.s32 $0xE00, s1;
	s5 =	sshll.u32 s4, $0x4  }
0x6: {  	s1 =	stileid.u32;
	s4 =	simm.s32 $0x1;
	s5 =	sand.u32 $0x10, s5  }
0x7: {  	s7 =	simm.s32 $0x0;
	[sflag:s4] =	ssyncpa.u1 $0x0;
	s5 =	sor.u32 s1, s5  }
0x8: {  	[sflag:s6] =	ssyncpa.u1 $0x0;
	s6 =	simm.s32 $0x0;
	s8 =	smov.u32 s5  }
.LBB1_7:
0x9: {  	s11 =	sadd.s32 $0x20, s8  }
0xa: {  	p1 =	slt.u32 s7, $0x2;
	s7 =	sadd.s32 $0x1, s7;
	p2 =	sgt.s32 s11, $0x2FF  }
0xb: {  	s11 =	smov.u32 @p2 s5;
	p2 =	sne.s32 s7, $0x1A  }
.Ltmp1:
0xc: {  	_ = 	snop;
	(pc) =	sbr.rel @!p2 .LBB1_8-.Ltmp1, $4  }
0xd: {  	s10 =	simm.s32 @!p1 $0x2  }
0xe: {  	_ =	swait.ge @!p1 [sflag:s10], $0x4000  }
0xf: {  	s9 =	smov.u32 s8;
	[sflag:s10] =	ssyncset.done @!p1 $0x0  }
0x10: {  	p0 =	por !p0, !p0;
	s8 =	smov.u32 s11;
	[sflag:s10] =	ssyncadd.s32 @!p1 $0xFFFFC000  }
.LBB1_1:
0x11: {  	p1 =	sgt.u32 s7, $0x17  }
0x12: {  	s10 =	sxor.u32 @!p1 $0xFFFFFFFF, s7  }
0x13: {  	s11 =	sshll.u32 @!p1 s8, $0xB;
	s10 =	sshll.u32 @!p1 s10, $0xE  }
0x14: {  	s12 =	simm.s32 @!p1 $0x0;
	s11 =	sadd.s32 @!p1 s2, s11;
	s10 =	sand.u32 @!p1 $0x4000, s10  }
0x15: {  	[tilespmem:s10], [sflag:$0x1] =	stream.linear.gather @!p1 [hbm4b:s11+s12], $0x4000, $0x38;
	[tilespmem:$0x10000] =	vst v63  }
0x16: {  	p1 =	seq.s32 s7, $0x0  }
0x17: {  	p2 =	seq.s32 @!p1 s7, $0x19  }
0x18: {  	p1 =	por p1, p2  }
.Ltmp2:
0x19: {  	_ = 	snop;
	(pc) =	sbr.rel @p1 .LBB1_7-.Ltmp2, $1  }
0x1a: {  	_ =	sdelay $0x3  }
0x1b: {  	s10 =	simm.s32 $0x1;
	_ =	swait.ge [sflag:s4], $0x4000;
	s12 =	sshll.u32 s7, $0xE  }
0x1c: {  	s13 =	simm.s32 $0x0;
	s10 =	simm.s32 @!p0 $0x0;
	[sflag:s4] =	ssyncset.done $0x0  }
0x1d: {  	s12 =	sand.u32 $0x4000, s12;
	s11 =	sshll.u32 s10, $0xE;
	[sflag:s4] =	ssyncadd.s32 $0xFFFFC000  }
0x1e: {  	s12 =	sor.u32 $0x8000, s12;
	s10 =	sor.u32 $0x8040, s11;
	s11 =	sor.u32 $0x40, s11  }
.LBB1_3:
0x1f: {  	v0 =	vmov s11;
	_ =	sdelay $0x3  }
0x20: {  	s15 =	simm.s32 $0x0  }
0x21: {  	v6 =	vld.idx.msk [tilespmem:v0+s15+$0x30 ss:$0x1], $0xffff  }
0x22: {  	v7 =	vld.idx.msk [tilespmem:v0+s15+$0xFFFFFFC0 ss:$0x1], $0xffff  }
0x23: {  	v5 =	vld.idx.msk [tilespmem:v0+s15+$0xFFFFFFD0 ss:$0x1], $0xffff  }
0x24: {  	v4 =	vld.idx.msk [tilespmem:v0+s15+$0xFFFFFFE0 ss:$0x1], $0xffff  }
0x25: {  	v3 =	vld.idx.msk [tilespmem:v0+s15+$0xFFFFFFF0 ss:$0x1], $0xffff  }
0x26: {  	v1 =	vld.idx.msk [tilespmem:v0+s15+$0x0 ss:$0x1], $0xffff  }
0x27: {  	v2 =	vld.idx.msk [tilespmem:v0+s15+$0x10 ss:$0x1], $0xffff;
	[tilespmem:s10+$0x30] =	vst v6  }
0x28: {  	s14 =	simm.s32 $0x80;
	s16 =	simm.s32 $0x400;
	[tilespmem:s10+$0xFFFFFFC0] =	vst v7;
	v6 =	vld.idx.msk [tilespmem:v0+s15+$0x20 ss:$0x1], $0xffff;
	s15 =	smov.u32 s10  }
.LBB1_4:
0x29: {  	p1 =	sne.s32 s16, $0xE00;
	v7 =	vld.idx.msk [tilespmem:v0+s14+$0x30 ss:$0x1], $0xffff;
	[tilespmem:s15+$0xFFFFFFD0] =	vst v5  }
0x2a: {  	v8 =	vld.idx.msk [tilespmem:v0+s14+$0xFFFFFFC0 ss:$0x1], $0xffff;
	[tilespmem:s15+$0xFFFFFFE0] =	vst v4  }
0x2b: {  	v5 =	vld.idx.msk [tilespmem:v0+s14+$0xFFFFFFD0 ss:$0x1], $0xffff;
	[tilespmem:s15+$0xFFFFFFF0] =	vst v3  }
.Ltmp3:
0x2c: {  	v4 =	vld.idx.msk [tilespmem:v0+s14+$0xFFFFFFE0 ss:$0x1], $0xffff;
	[tilespmem:s15+$0x0] =	vst v1;
	(pc) =	sbr.rel @p1 .LBB1_4-.Ltmp3, $4  }
0x2d: {  	v3 =	vld.idx.msk [tilespmem:v0+s14+$0xFFFFFFF0 ss:$0x1], $0xffff;
	[tilespmem:s15+$0x10] =	vst v2  }
0x2e: {  	v1 =	vld.idx.msk [tilespmem:v0+s14+$0x0 ss:$0x1], $0xffff;
	[tilespmem:s15+$0x20] =	vst v6;
	s15 =	sadd.s32 $0x800, s15  }
0x2f: {  	v2 =	vld.idx.msk [tilespmem:v0+s14+$0x10 ss:$0x1], $0xffff;
	[tilespmem:s15+$0x30] =	vst v7  }
0x30: {  	[tilespmem:s15+$0xFFFFFFC0] =	vst v8;
	v6 =	vld.idx.msk [tilespmem:v0+s14+$0x20 ss:$0x1], $0xffff;
	s14 =	sshra.s32 s16, $0x2;
	s16 =	sadd.s32 $0x200, s16  }
0x31: {  	_ =	sdelay $0x2  }
0x32: {  	[tilespmem:s15+$0xFFFFFFD0] =	vst v5  }
0x33: {  	v56 =	vld.idx.msk [tilespmem:v0+s14+$0x30 ss:$0x1], $0xffff;
	[tilespmem:s15+$0xFFFFFFE0] =	vst v4  }
0x34: {  	v57 =	vld.idx.msk [tilespmem:v0+s14+$0xFFFFFFC0 ss:$0x1], $0xffff;
	[tilespmem:s15+$0xFFFFFFF0] =	vst v3  }
0x35: {  	v58 =	vld.idx.msk [tilespmem:v0+s14+$0xFFFFFFD0 ss:$0x1], $0xffff;
	[tilespmem:s15+$0x0] =	vst v1  }
0x36: {  	v59 =	vld.idx.msk [tilespmem:v0+s14+$0xFFFFFFE0 ss:$0x1], $0xffff;
	[tilespmem:s15+$0x10] =	vst v2  }
0x37: {  	v60 =	vld.idx.msk [tilespmem:v0+s14+$0xFFFFFFF0 ss:$0x1], $0xffff;
	s31 =	sadd.s32 $0x800, s15;
	[tilespmem:s15+$0x20] =	vst v6  }
0x38: {  	v61 =	vld.idx.msk [tilespmem:v0+s14+$0x0 ss:$0x1], $0xffff;
	[tilespmem:s31+$0x30] =	vst v56  }
0x39: {  	v62 =	vld.idx.msk [tilespmem:v0+s14+$0x10 ss:$0x1], $0xffff;
	s13 =	sadd.s32 $0x1, s13;
	[tilespmem:s31+$0xFFFFFFC0] =	vst v57  }
0x3a: {  	v63 =	vld.idx.msk [tilespmem:v0+s14+$0x20 ss:$0x1], $0xffff;
	p1 =	sne.s32 s13, $0x10;
	[tilespmem:s31+$0xFFFFFFD0] =	vst v58  }
.Ltmp4:
0x3b: {  	[tilespmem:s31+$0xFFFFFFE0] =	vst v59;
	(pc) =	sbr.rel @p1 .LBB1_3-.Ltmp4, $4  }
0x3c: {  	[tilespmem:s31+$0xFFFFFFF0] =	vst v60  }
0x3d: {  	[tilespmem:s31+$0x0] =	vst v61  }
0x3e: {  	[tilespmem:s31+$0x10] =	vst v62  }
0x3f: {  	s10 =	sadd.s32 $0x80, s10;
	s11 =	sadd.s32 $0x400, s11;
	[tilespmem:s31+$0x20] =	vst v63  }
.Ltmp5:
0x40: {  	(pc) =	sbr.rel .LBB1_7-.Ltmp5, $4  }
0x41: {  	_ = 	snop  }
0x42: {  	s9 =	sshll.u32 s9, $0xB  }
0x43: {  	s9 =	sadd.s32 s3, s9  }
0x44: {  	[hbm4b:s9+s6] =	stream.linear.scatter [tilespmem:s12], [sflag:$0x2], $0x4000, $0x38;
	[tilespmem:$0x10000] =	vst v63  }
.LBB1_8:
0x45: {  	_ =	sfence.sel $0x180000  }
0x46: {  	s2 =	simm.s32 $0x1;
	[bflag:$0x0] =	sbarrier.arrive $0xFFFF  }
0x47: {  	s31 =	simm.s32 $0x2;
	[sflag:s2] =	ssyncpa.u1 $0x1  }
0x48: {  	[sflag:s31] =	ssyncpa.u1 $0x1  }
0x49: {  	p0 =	sne.s32 s1, $0x0;
	_ =	strace $0x90000047  }
0x4a: {  	s0 =	sadd.s32 @!p0 $0x100000, s0;
	[bflag:$0x2] =	sbarrier.arrive $0xFFFF  }
0x4b: {  	[sflag:s0] =	ssyncadd.tile.s32 @!p0 $0x1;
	_ =	shalt  }
.Lfunc_end1:
_tile_overlayer_lowered:
.L_overlay_start_2:
0x4c: {  	(tag) =	ssettag $0x2  }
0x4d: {  	s0 =	rddreg [dreg:$0x0];
	s2 =	stileid.u32  }
0x4e: {  	s1 =	rddreg [dreg:$0x1];
	p0 =	sne.s32 s2, $0x0  }
0x4f: {  	s3 =	rddreg [dreg:$0x2];
	[bflag:$0x3] =	sbarrier.arrive $0xFFFF;
	s2 =	simm.s32 @!p0 $0x1C01  }
0x50: {  	[timem:s3], [sflag:s2] =	dma.local @!p0 [hbm:s0], s1  }
0x51: {  	s0 =	simm.s32 @!p0 $0x1  }
0x52: {  	_ =	swait.ge @!p0 [sflag:s0], s1  }
0x53: {  	s1 =	ssub.s32 @!p0 $0x0, s1;
	[sflag:s0] =	ssyncset.done @!p0 $0x0  }
0x54: {  	[sflag:s0] =	ssyncadd.s32 @!p0 s1  }
0x55: {  	[bflag:$0x3] =	sbarrier.arrive $0xFFFF  }
0x56: {  	_ =	shalt  }

</sc_bundles>
